<compile_context>
chip_gen: v7x
topology: tpu7x:2x2x1
jax: 0.10.2.dev20260603
libtpu: 0.0.44.dev20260713+nightly
codegen_flags: <defaults>
</compile_context>

<pallas_src>
import functools

import jax
import jax.numpy as jnp
from jax import lax
from jax.experimental import pallas as pl
from jax.experimental.pallas import tpu as pltpu
from jax.experimental.pallas import tpu_sc as plsc

N = 10000
E = 320000
D = 128
NC = 2
NS = 16
NW = NC * NS
K = 256
KA = 128
EPAD = ((E + NW * K - 1) // (NW * K)) * (NW * K)
EPT = EPAD // NW
CHUNKS = EPT // K
CHA = EPT // KA
ZB = 128
APAD = 240
AROWS = N + APAD
RPT = AROWS // NS
RB = 1000

_mesh = plsc.VectorSubcoreMesh(core_axis_name="c", subcore_axis_name="s")


def _zero_vmem(buf, nrows, ncols):
    z16 = jnp.zeros((16,), jnp.float32)

    @pl.loop(0, nrows)
    def _(i):
        @pl.loop(0, ncols // 16)
        def _(j):
            buf[i, pl.ds(j * 16, 16)] = z16


def _deg_body(dst_hbm, out_hbm, acc, didx, upd, zbuf):
    c = lax.axis_index("c")
    s = lax.axis_index("s")
    wid = c * NS + s

    one0 = jnp.where(lax.iota(jnp.int32, 16) == 0, 1.0, 0.0)

    @pl.loop(0, K)
    def _(i):
        upd[i, pl.ds(0, 16)] = one0

    _zero_vmem(zbuf, ZB, 16)

    @pl.loop(0, RPT // ZB)
    def _(k):
        pltpu.sync_copy(zbuf, acc.at[pl.ds(s * RPT + k * ZB, ZB)])

    plsc.subcore_barrier()

    base = wid * EPT

    @pl.loop(0, CHUNKS)
    def _(t):
        pltpu.sync_copy(dst_hbm.at[pl.ds(base + t * K, K)], didx.at[0])
        pltpu.sync_copy(upd, acc.at[didx.at[0]], add=True)

    plsc.subcore_barrier()
    pltpu.sync_copy(acc.at[pl.ds(s * RPT, RPT)],
                    out_hbm.at[c, pl.ds(s * RPT, RPT)])


@jax.jit
def _sc_deg(dst_p):
    kfn = pl.kernel(
        _deg_body,
        out_type=jax.ShapeDtypeStruct((NC, AROWS, 16), jnp.float32),
        mesh=_mesh,
        scratch_types=[
            pltpu.VMEM_SHARED((AROWS, 16), jnp.float32),
            pltpu.VMEM((1, K), jnp.int32),
            pltpu.VMEM((K, 16), jnp.float32),
            pltpu.VMEM((ZB, 16), jnp.float32),
        ],
    )
    return kfn(dst_p)


HEPT = EPT // 2
HALF = CHA // 2


def _agg_body(h_hbm, src_hbm, dst3_hbm, out_hbm, acc, sidx, didx3,
              rows0, rows1, ssem0, ssem1):
    c = lax.axis_index("c")
    s = lax.axis_index("s")
    wid = c * NS + s

    _zero_vmem(rows0, ZB, D)

    @pl.loop(0, RPT // ZB)
    def _(k):
        pltpu.sync_copy(rows0.at[pl.ds(0, ZB)],
                        acc.at[pl.ds(s * RPT + k * ZB, ZB)])

    base = wid * EPT
    pltpu.sync_copy(dst3_hbm.at[wid], didx3)
    pltpu.sync_copy(src_hbm.at[pl.ds(base, HEPT)], sidx)

    plsc.subcore_barrier()

    bufs = ((rows0, ssem0), (rows1, ssem1))
    for b in range(2):
        rows_b, ssem = bufs[b]
        pltpu.sync_copy(h_hbm.at[sidx.at[pl.ds(b * KA, KA)]], rows_b)
        pltpu.async_copy(rows_b, acc.at[didx3.at[b]], ssem, add=True)

    def _steady(t, b, half):
        rows_b, ssem = bufs[b]
        tb = t + b
        pltpu.make_async_copy(rows_b, acc.at[didx3.at[tb - 2]], ssem).wait()
        pltpu.sync_copy(
            h_hbm.at[sidx.at[pl.ds((tb - half * HALF) * KA, KA)]], rows_b)
        pltpu.async_copy(rows_b, acc.at[didx3.at[tb]], ssem, add=True)

    @pl.loop(2, HALF, step=2)
    def _(t):
        for b in range(2):
            _steady(t, b, 0)

    pltpu.sync_copy(src_hbm.at[pl.ds(base + HEPT, HEPT)], sidx)

    @pl.loop(HALF, CHA, step=2)
    def _(t):
        for b in range(2):
            _steady(t, b, 1)

    for b in range(2):
        rows_b, ssem = bufs[b]
        pltpu.make_async_copy(
            rows_b, acc.at[didx3.at[CHA - 2 + b]], ssem).wait()

    plsc.subcore_barrier()
    pltpu.sync_copy(acc.at[pl.ds(s * RPT, RPT)],
                    out_hbm.at[c, pl.ds(s * RPT, RPT)])


@jax.jit
def _sc_agg(hp, src_p, dst3_p):
    kfn = pl.kernel(
        _agg_body,
        out_type=jax.ShapeDtypeStruct((NC, AROWS, D), jnp.float32),
        mesh=_mesh,
        scratch_types=[
            pltpu.VMEM_SHARED((AROWS, D), jnp.float32),
            pltpu.VMEM((HEPT,), jnp.int32),
            pltpu.VMEM((CHA, KA), jnp.int32),
            pltpu.VMEM((KA, D), jnp.float32),
            pltpu.VMEM((KA, D), jnp.float32),
            pltpu.SemaphoreType.DMA,
            pltpu.SemaphoreType.DMA,
        ],
    )
    return kfn(hp, src_p, dst3_p)


def _mm_body(x_ref, w_ref, o_ref):
    o_ref[...] = lax.dot_general(
        x_ref[...], w_ref[...], (((1,), (1,)), ((), ())),
        preferred_element_type=jnp.float32, precision=lax.Precision.HIGHEST)


@jax.jit
def _matmul(x, w):
    return pl.pallas_call(
        _mm_body,
        grid=(N // RB,),
        in_specs=[pl.BlockSpec((RB, D), lambda i: (i, 0)),
                  pl.BlockSpec((D, D), lambda i: (0, 0))],
        out_specs=pl.BlockSpec((RB, D), lambda i: (i, 0)),
        out_shape=jax.ShapeDtypeStruct((N, D), jnp.float32),
    )(x, w)


def _prep_body(parts_ref, h_ref, hp_ref, dis_ref):
    deg = parts_ref[0, :, 0:1] + parts_ref[1, :, 0:1] + 1.0
    dis = lax.rsqrt(deg)
    dis_ref[...] = dis
    hp_ref[...] = h_ref[...] * dis


@jax.jit
def _prep(parts, h):
    return pl.pallas_call(
        _prep_body,
        grid=(N // RB,),
        in_specs=[pl.BlockSpec((NC, RB, 16), lambda i: (0, i, 0)),
                  pl.BlockSpec((RB, D), lambda i: (i, 0))],
        out_specs=[pl.BlockSpec((RB, D), lambda i: (i, 0)),
                   pl.BlockSpec((RB, 1), lambda i: (i, 0))],
        out_shape=[jax.ShapeDtypeStruct((N, D), jnp.float32),
                   jax.ShapeDtypeStruct((N, 1), jnp.float32)],
    )(parts, h)


def _mid_body(p_ref, hp_ref, dis_ref, b_ref, w_ref, o_ref):
    t = dis_ref[...] * (p_ref[0] + p_ref[1] + hp_ref[...]) + b_ref[...]
    y = jnp.maximum(t, 0.0)
    h2 = lax.dot_general(
        y, w_ref[...], (((1,), (1,)), ((), ())),
        preferred_element_type=jnp.float32, precision=lax.Precision.HIGHEST)
    o_ref[...] = h2 * dis_ref[...]


@jax.jit
def _mid(parts, hp, dis, b, w):
    return pl.pallas_call(
        _mid_body,
        grid=(N // RB,),
        in_specs=[pl.BlockSpec((NC, RB, D), lambda i: (0, i, 0)),
                  pl.BlockSpec((RB, D), lambda i: (i, 0)),
                  pl.BlockSpec((RB, 1), lambda i: (i, 0)),
                  pl.BlockSpec((1, D), lambda i: (0, 0)),
                  pl.BlockSpec((D, D), lambda i: (0, 0))],
        out_specs=pl.BlockSpec((RB, D), lambda i: (i, 0)),
        out_shape=jax.ShapeDtypeStruct((N, D), jnp.float32),
    )(parts, hp, dis, b, w)


def _fin_body(p_ref, hp_ref, dis_ref, b_ref, o_ref):
    t = dis_ref[...] * (p_ref[0] + p_ref[1] + hp_ref[...]) + b_ref[...]
    m = jnp.max(t, axis=1, keepdims=True)
    lse = jnp.log(jnp.sum(jnp.exp(t - m), axis=1, keepdims=True)) + m
    o_ref[...] = t - lse


@jax.jit
def _fin(parts, hp, dis, b):
    return pl.pallas_call(
        _fin_body,
        grid=(N // RB,),
        in_specs=[pl.BlockSpec((NC, RB, D), lambda i: (0, i, 0)),
                  pl.BlockSpec((RB, D), lambda i: (i, 0)),
                  pl.BlockSpec((RB, 1), lambda i: (i, 0)),
                  pl.BlockSpec((1, D), lambda i: (0, 0))],
        out_specs=pl.BlockSpec((RB, D), lambda i: (i, 0)),
        out_shape=jax.ShapeDtypeStruct((N, D), jnp.float32),
    )(parts, hp, dis, b)


def kernel(x, edge_index, W1, b1, W2, b2):
    src = edge_index[0].astype(jnp.int32)
    dst = edge_index[1].astype(jnp.int32)
    npad = EPAD - E
    pad = jnp.arange(npad, dtype=jnp.int32)
    src_p = jnp.concatenate([src, pad % N])
    dst_p = jnp.concatenate([dst, N + pad % APAD])

    dst3_p = dst_p.reshape(NW, CHA, KA)

    deg_parts = _sc_deg(dst_p)
    h1 = _matmul(x, W1)
    h1p, dis = _prep(deg_parts, h1)
    agg1 = _sc_agg(h1p, src_p, dst3_p)
    h2p = _mid(agg1, h1p, dis, b1.reshape(1, D), W2)
    agg2 = _sc_agg(h2p, src_p, dst3_p)
    return _fin(agg2, h2p, dis, b2.reshape(1, D))

# --- scband reference (transcript-rebuilt; emitter-appended) ---
"""Pipeline reference for scband-gcn-89163521065703 (READ-ONLY COPY).

The authoritative reference and input builder live on the scoring server;
editing this copy changes nothing except your own understanding.
"""

import jax, jax.numpy as jnp
import numpy as np

N_NODES = 10000
N_EDGES = 320000
D_IN = 128
D_HID = 128
D_OUT = 128


def setup_inputs(seed: int = 0) -> dict:
    key = jax.random.key(seed)
    k_x, k_e, k_w1, k_b1, k_w2, k_b2 = jax.random.split(key, 6)
    x = jax.random.normal(k_x, (N_NODES, D_IN), dtype=jnp.float32)
    edge_index = jax.random.randint(k_e, (2, N_EDGES), 0, N_NODES, dtype=jnp.int64)
    # Glorot-style init for GCNConv linear layers (PyG: lin has no bias; conv bias separate, zero-init; use small random for generality)
    W1 = jax.random.normal(k_w1, (D_HID, D_IN), dtype=jnp.float32) * (1.0 / np.sqrt(D_IN))
    b1 = jax.random.normal(k_b1, (D_HID,), dtype=jnp.float32) * 0.01
    W2 = jax.random.normal(k_w2, (D_OUT, D_HID), dtype=jnp.float32) * (1.0 / np.sqrt(D_HID))
    b2 = jax.random.normal(k_b2, (D_OUT,), dtype=jnp.float32) * 0.01
    return {"x": x, "edge_index": edge_index, "W1": W1, "b1": b1, "W2": W2, "b2": b2}


def _gcn_conv(x, src, dst, W, b, num_nodes):
    # PyG GCNConv: x @ W.T, add self-loops, symmetric normalization, scatter-add aggregate, add bias
    h = x @ W.T
    loop = jnp.arange(num_nodes, dtype=src.dtype)
    src2 = jnp.concatenate([src, loop])
    dst2 = jnp.concatenate([dst, loop])
    ones = jnp.ones(src2.shape[0], dtype=h.dtype)
    deg = jnp.zeros((num_nodes,), dtype=h.dtype).at[dst2].add(ones)
    deg_inv_sqrt = jnp.where(deg > 0, deg ** -0.5, 0.0)
    norm = deg_inv_sqrt[src2] * deg_inv_sqrt[dst2]
    msg = h[src2] * norm[:, None]
    out = jnp.zeros((num_nodes, h.shape[1]), dtype=h.dtype).at[dst2].add(msg)
    return out + b


def reference(x, edge_index, W1, b1, W2, b2):
    src = edge_index[0]
    dst = edge_index[1]
    h = _gcn_conv(x, src, dst, W1, b1, N_NODES)
    h = jax.nn.relu(h)
    h = _gcn_conv(h, src, dst, W2, b2, N_NODES)
    return jax.nn.log_softmax(h, axis=1)

if __name__ == "__main__":
    import jax
    _d = setup_inputs()
    print(jax.jit(kernel)(*tuple(_d.values())))

</pallas_src>

<mosaic_0001>
#map = affine_map<(d0, d1) -> (0)>
#map1 = affine_map<(d0, d1) -> (0, 0, 0)>
module attributes {stable_mosaic.version = 14 : i64} {
  func.func @_deg_body(%arg0: i32, %arg1: i32, %arg2: memref<327680xi32, #tpu.memory_space<hbm>>, %arg3: memref<2x10240x16xf32, #tpu.memory_space<hbm>>, %arg4: memref<10240x16xf32, #tpu.memory_space<vmem_shared>>, %arg5: memref<1x256xi32, #tpu.memory_space<vmem>>, %arg6: memref<256x16xf32, #tpu.memory_space<vmem>>, %arg7: memref<128x16xf32, #tpu.memory_space<vmem>>) attributes {dimension_semantics = [#tpu.dimension_semantics<core_parallel>, #tpu.dimension_semantics<subcore_parallel>], iteration_bounds = array<i64: 2, 16>, scalar_prefetch = 0 : i64, scratch_operands = 4 : i64, tpu.core_type = #tpu.core_type<sc_vector_subcore>, window_params = [{transform_indices = #map}, {transform_indices = #map1}]} {
    %mul3A = arith.constant 16 : i32
    %mul3A_0 = arith.muli %arg0, %mul3A : i32
    %add3A = arith.addi %mul3A_0, %arg1 : i32
    %iota3A = tpu.iota {dimensions = array<i32: 0>} : vector<16xi32>
    %eq3A = arith.constant 0 : i32
    %eq3A_1 = vector.broadcast %eq3A : i32 to vector<16xi32>
    %eq3A_2 = arith.cmpi eq, %iota3A, %eq3A_1 : vector<16xi32>
    %jit3A = arith.constant 1.000000e+00 : f32
    %jit3A_3 = arith.constant 0.000000e+00 : f32
    %broadcast_in_dim3A = vector.broadcast %jit3A : f32 to vector<16xf32>
    %broadcast_in_dim3A_4 = vector.broadcast %jit3A_3 : f32 to vector<16xf32>
    %select_n3A = arith.select %eq3A_2, %broadcast_in_dim3A, %broadcast_in_dim3A_4 : vector<16xi1>, vector<16xf32>
    %scan3A = arith.constant 0 : i32
    %scan3A_5 = arith.constant 256 : i32
    %scan3A_6 = arith.addi %scan3A, %scan3A_5 : i32
    %scan3A_7 = arith.constant 1 : i32
    scf.for %scan3A_33 = %scan3A to %scan3A_6 step %scan3A_7  : i32 {
      %mul3A_34 = arith.constant 1 : i32
      %mul3A_35 = arith.muli %scan3A_33, %mul3A_34 : i32
      %add3A_36 = arith.constant 0 : i32
      %add3A_37 = arith.addi %add3A_36, %mul3A_35 : i32
      %swap3A = arith.index_cast %add3A_37 : i32 to index
      %swap3A_38 = arith.constant 0 : index
      %swap3A_39 = tpu.vector_load %arg6[%swap3A, %swap3A_38] {strides = array<i32>} : memref<256x16xf32, #tpu.memory_space<vmem>>, vector<1x16xf32>,
      %swap3A_40 = vector.shape_cast %swap3A_39 : vector<1x16xf32> to vector<16xf32>
      %swap3A_41 = vector.shape_cast %select_n3A : vector<16xf32> to vector<1x16xf32>
      tpu.vector_store %arg6[%swap3A, %swap3A_38], %swap3A_41 {strides = array<i32>} : memref<256x16xf32, #tpu.memory_space<vmem>>, vector<1x16xf32>,
    }
    %scan3A_8 = arith.constant 256 : i32
    %broadcast_in_dim3A_9 = arith.constant 0.000000e+00 : f32
    %broadcast_in_dim3A_10 = vector.broadcast %broadcast_in_dim3A_9 : f32 to vector<16xf32>
    %scan3A_11 = arith.constant 0 : i32
    %scan3A_12 = arith.constant 128 : i32
    %scan3A_13 = arith.addi %scan3A_11, %scan3A_12 : i32
    %scan3A_14 = arith.constant 1 : i32
    scf.for %scan3A_33 = %scan3A_11 to %scan3A_13 step %scan3A_14  : i32 {
      %mul3A_34 = arith.constant 1 : i32
      %mul3A_35 = arith.muli %scan3A_33, %mul3A_34 : i32
      %add3A_36 = arith.constant 0 : i32
      %add3A_37 = arith.addi %add3A_36, %mul3A_35 : i32
      %scan3A_38 = arith.constant 0 : i32
      %mul3A_39 = arith.constant 1 : i32
      %mul3A_40 = arith.muli %scan3A_38, %mul3A_39 : i32
      %add3A_41 = arith.constant 0 : i32
      %add3A_42 = arith.addi %add3A_41, %mul3A_40 : i32
      %mul3A_43 = arith.constant 16 : i32
      %mul3A_44 = arith.muli %add3A_42, %mul3A_43 : i32
      %swap3A = arith.index_cast %add3A_37 : i32 to index
      %swap3A_45 = arith.index_cast %mul3A_44 : i32 to index
      %swap3A_46 = tpu.vector_load %arg7[%swap3A, %swap3A_45] {strides = array<i32>} : memref<128x16xf32, #tpu.memory_space<vmem>>, vector<1x16xf32>,
      %swap3A_47 = vector.shape_cast %swap3A_46 : vector<1x16xf32> to vector<16xf32>
      %swap3A_48 = vector.shape_cast %broadcast_in_dim3A_10 : vector<16xf32> to vector<1x16xf32>
      tpu.vector_store %arg7[%swap3A, %swap3A_45], %swap3A_48 {strides = array<i32>} : memref<128x16xf32, #tpu.memory_space<vmem>>, vector<1x16xf32>,
      %scan3A_49 = arith.constant 1 : i32
    }
    %scan3A_15 = arith.constant 128 : i32
    %scan3A_16 = arith.constant 0 : i32
    %scan3A_17 = arith.constant 5 : i32
    %scan3A_18 = arith.addi %scan3A_16, %scan3A_17 : i32
    %scan3A_19 = arith.constant 1 : i32
    scf.for %scan3A_33 = %scan3A_16 to %scan3A_18 step %scan3A_19  : i32 {
      %mul3A_34 = arith.constant 1 : i32
      %mul3A_35 = arith.muli %scan3A_33, %mul3A_34 : i32
      %add3A_36 = arith.constant 0 : i32
      %add3A_37 = arith.addi %add3A_36, %mul3A_35 : i32
      %mul3A_38 = arith.constant 640 : i32
      %mul3A_39 = arith.muli %arg1, %mul3A_38 : i32
      %mul3A_40 = arith.constant 128 : i32
      %mul3A_41 = arith.muli %add3A_37, %mul3A_40 : i32
      %add3A_42 = arith.addi %mul3A_39, %mul3A_41 : i32
      "tpu.region"() ({
        %run_scoped3A = tpu.sem_alloc : memref<!tpu.dma_semaphore, #tpu.memory_space<semaphore_mem>>
        %dma_start3A = arith.constant 0 : i32
        %dma_start3A_43 = tpu.memref_slice %arg4[%add3A_42, %dma_start3A] : memref<10240x16xf32, #tpu.memory_space<vmem_shared>> -> memref<128x16xf32, #tpu.memory_space<vmem_shared>>
        %dma_start3A_44 = arith.constant 0 : i32
        %dma_start3A_45 = tpu.memref_slice %arg4[%add3A_42, %dma_start3A_44] : memref<10240x16xf32, #tpu.memory_space<vmem_shared>> -> memref<128x16xf32, #tpu.memory_space<vmem_shared>>
        tpu.enqueue_dma source(%arg7 : memref<128x16xf32, #tpu.memory_space<vmem>>) target(%dma_start3A_45 : memref<128x16xf32, #tpu.memory_space<vmem_shared>>) target_semaphore(%run_scoped3A : memref<!tpu.dma_semaphore, #tpu.memory_space<semaphore_mem>>)
        %dma_wait3A = arith.constant 0 : i32
        %dma_wait3A_46 = tpu.memref_slice %arg4[%add3A_42, %dma_wait3A] : memref<10240x16xf32, #tpu.memory_space<vmem_shared>> -> memref<128x16xf32, #tpu.memory_space<vmem_shared>>
        %dma_wait3A_47 = arith.constant 0 : i32
        %dma_wait3A_48 = tpu.memref_slice %arg4[%add3A_42, %dma_wait3A_47] : memref<10240x16xf32, #tpu.memory_space<vmem_shared>> -> memref<128x16xf32, #tpu.memory_space<vmem_shared>>
        tpu.wait_dma2 semaphore(%run_scoped3A : memref<!tpu.dma_semaphore, #tpu.memory_space<semaphore_mem>>) src(%arg7 : memref<128x16xf32, #tpu.memory_space<vmem>>) dst(%dma_wait3A_48 : memref<128x16xf32, #tpu.memory_space<vmem_shared>>)
        tpu.yield
      }) : () -> ()
    }
    %scan3A_20 = arith.constant 5 : i32
    %barrier3A = arith.constant 0 : index
    tpu.barrier barrier_id(%barrier3A)
    %mul3A_21 = arith.constant 10240 : i32
    %mul3A_22 = arith.muli %add3A, %mul3A_21 : i32
    %scan3A_23 = arith.constant 0 : i32
    %scan3A_24 = arith.constant 40 : i32
    %scan3A_25 = arith.addi %scan3A_23, %scan3A_24 : i32
    %scan3A_26 = arith.constant 1 : i32
    scf.for %scan3A_33 = %scan3A_23 to %scan3A_25 step %scan3A_26  : i32 {
      %mul3A_34 = arith.constant 1 : i32
      %mul3A_35 = arith.muli %scan3A_33, %mul3A_34 : i32
      %add3A_36 = arith.constant 0 : i32
      %add3A_37 = arith.addi %add3A_36, %mul3A_35 : i32
      %mul3A_38 = arith.constant 256 : i32
      %mul3A_39 = arith.muli %add3A_37, %mul3A_38 : i32
      %add3A_40 = arith.addi %mul3A_22, %mul3A_39 : i32
      %run_scoped3A = arith.constant 0 : i32
      "tpu.region"() ({
        %run_scoped3A_42 = tpu.sem_alloc : memref<!tpu.dma_semaphore, #tpu.memory_space<semaphore_mem>>
        %dma_start3A = arith.constant 0 : i32
        %dma_start3A_43 = tpu.memref_slice %arg5[%run_scoped3A, %dma_start3A] : memref<1x256xi32, #tpu.memory_space<vmem>> -> memref<1x256xi32, #tpu.memory_space<vmem>>
        %dma_start3A_44 = tpu.memref_squeeze %dma_start3A_43 : memref<1x256xi32, #tpu.memory_space<vmem>> -> memref<256xi32, #tpu.memory_space<vmem>>
        %dma_start3A_45 = tpu.memref_slice %arg2[%add3A_40] : memref<327680xi32, #tpu.memory_space<hbm>> -> memref<256xi32, #tpu.memory_space<hbm>>
        %dma_start3A_46 = arith.constant 0 : i32
        %dma_start3A_47 = tpu.memref_slice %arg5[%run_scoped3A, %dma_start3A_46] : memref<1x256xi32, #tpu.memory_space<vmem>> -> memref<1x256xi32, #tpu.memory_space<vmem>>
        %dma_start3A_48 = tpu.memref_squeeze %dma_start3A_47 : memref<1x256xi32, #tpu.memory_space<vmem>> -> memref<256xi32, #tpu.memory_space<vmem>>
        %dma_start3A_49 = tpu.memref_slice %arg2[%add3A_40] : memref<327680xi32, #tpu.memory_space<hbm>> -> memref<256xi32, #tpu.memory_space<hbm>>
        tpu.enqueue_dma source(%dma_start3A_49 : memref<256xi32, #tpu.memory_space<hbm>>) target(%dma_start3A_48 : memref<256xi32, #tpu.memory_space<vmem>>) target_semaphore(%run_scoped3A_42 : memref<!tpu.dma_semaphore, #tpu.memory_space<semaphore_mem>>)
        %dma_wait3A = arith.constant 0 : i32
        %dma_wait3A_50 = tpu.memref_slice %arg5[%run_scoped3A, %dma_wait3A] : memref<1x256xi32, #tpu.memory_space<vmem>> -> memref<1x256xi32, #tpu.memory_space<vmem>>
        %dma_wait3A_51 = tpu.memref_squeeze %dma_wait3A_50 : memref<1x256xi32, #tpu.memory_space<vmem>> -> memref<256xi32, #tpu.memory_space<vmem>>
        %dma_wait3A_52 = tpu.memref_slice %arg2[%add3A_40] : memref<327680xi32, #tpu.memory_space<hbm>> -> memref<256xi32, #tpu.memory_space<hbm>>
        %dma_wait3A_53 = arith.constant 0 : i32
        %dma_wait3A_54 = tpu.memref_slice %arg5[%run_scoped3A, %dma_wait3A_53] : memref<1x256xi32, #tpu.memory_space<vmem>> -> memref<1x256xi32, #tpu.memory_space<vmem>>
        %dma_wait3A_55 = tpu.memref_squeeze %dma_wait3A_54 : memref<1x256xi32, #tpu.memory_space<vmem>> -> memref<256xi32, #tpu.memory_space<vmem>>
        %dma_wait3A_56 = tpu.memref_slice %arg2[%add3A_40] : memref<327680xi32, #tpu.memory_space<hbm>> -> memref<256xi32, #tpu.memory_space<hbm>>
        tpu.wait_dma2 semaphore(%run_scoped3A_42 : memref<!tpu.dma_semaphore, #tpu.memory_space<semaphore_mem>>) src(%dma_wait3A_56 : memref<256xi32, #tpu.memory_space<hbm>>) dst(%dma_wait3A_55 : memref<256xi32, #tpu.memory_space<vmem>>)
        tpu.yield
      }) : () -> ()
      %run_scoped3A_41 = arith.constant 0 : i32
      "tpu.region"() ({
        %run_scoped3A_42 = tpu.sem_alloc : memref<!tpu.dma_semaphore, #tpu.memory_space<semaphore_mem>>
        %dma_start3A = arith.constant 0 : i32
        %dma_start3A_43 = tpu.memref_slice %arg5[%run_scoped3A_41, %dma_start3A] : memref<1x256xi32, #tpu.memory_space<vmem>> -> memref<1x256xi32, #tpu.memory_space<vmem>>
        %dma_start3A_44 = tpu.memref_squeeze %dma_start3A_43 : memref<1x256xi32, #tpu.memory_space<vmem>> -> memref<256xi32, #tpu.memory_space<vmem>>
        %dma_start3A_45 = arith.constant 0 : i32
        %dma_start3A_46 = arith.constant 0 : i32
        %dma_start3A_47 = tpu.memref_slice %arg4[%dma_start3A_45, %dma_start3A_46] : memref<10240x16xf32, #tpu.memory_space<vmem_shared>> -> memref<10240x16xf32, #tpu.memory_space<vmem_shared>>
        tpu.enqueue_indirect_dma source(%arg6 : memref<256x16xf32, #tpu.memory_space<vmem>>) target(%dma_start3A_47 : memref<10240x16xf32, #tpu.memory_space<vmem_shared>>) offsets(%dma_start3A_44 : memref<256xi32, #tpu.memory_space<vmem>>) semaphore(%run_scoped3A_42 : memref<!tpu.dma_semaphore, #tpu.memory_space<semaphore_mem>>) {add = true}
        %dma_wait3A = arith.constant 0 : i32
        %dma_wait3A_48 = tpu.memref_slice %arg5[%run_scoped3A_41, %dma_wait3A] : memref<1x256xi32, #tpu.memory_space<vmem>> -> memref<1x256xi32, #tpu.memory_space<vmem>>
        %dma_wait3A_49 = tpu.memref_squeeze %dma_wait3A_48 : memref<1x256xi32, #tpu.memory_space<vmem>> -> memref<256xi32, #tpu.memory_space<vmem>>
        %dma_wait3A_50 = arith.constant 0 : i32
        %dma_wait3A_51 = arith.constant 0 : i32
        %dma_wait3A_52 = tpu.memref_slice %arg4[%dma_wait3A_50, %dma_wait3A_51] : memref<10240x16xf32, #tpu.memory_space<vmem_shared>> -> memref<10240x16xf32, #tpu.memory_space<vmem_shared>>
        tpu.wait_indirect_dma semaphore(%run_scoped3A_42 : memref<!tpu.dma_semaphore, #tpu.memory_space<semaphore_mem>>) src(%arg6 : memref<256x16xf32, #tpu.memory_space<vmem>>) dst(%dma_wait3A_52 : memref<10240x16xf32, #tpu.memory_space<vmem_shared>>)
        tpu.yield
      }) : () -> ()
    }
    %scan3A_27 = arith.constant 40 : i32
    %barrier3A_28 = arith.constant 0 : index
    tpu.barrier barrier_id(%barrier3A_28)
    %mul3A_29 = arith.constant 640 : i32
    %mul3A_30 = arith.muli %arg1, %mul3A_29 : i32
    %mul3A_31 = arith.constant 640 : i32
    %mul3A_32 = arith.muli %arg1, %mul3A_31 : i32
    "tpu.region"() ({
      %run_scoped3A = tpu.sem_alloc : memref<!tpu.dma_semaphore, #tpu.memory_space<semaphore_mem>>
      %dma_start3A = arith.constant 0 : i32
      %dma_start3A_33 = tpu.memref_slice %arg3[%arg0, %mul3A_32, %dma_start3A] : memref<2x10240x16xf32, #tpu.memory_space<hbm>> -> memref<1x640x16xf32, #tpu.memory_space<hbm>>
      %dma_start3A_34 = tpu.memref_squeeze %dma_start3A_33 : memref<1x640x16xf32, #tpu.memory_space<hbm>> -> memref<640x16xf32, #tpu.memory_space<hbm>>
      %dma_start3A_35 = arith.constant 0 : i32
      %dma_start3A_36 = tpu.memref_slice %arg4[%mul3A_30, %dma_start3A_35] : memref<10240x16xf32, #tpu.memory_space<vmem_shared>> -> memref<640x16xf32, #tpu.memory_space<vmem_shared>>
      tpu.enqueue_dma source(%dma_start3A_36 : memref<640x16xf32, #tpu.memory_space<vmem_shared>>) target(%dma_start3A_34 : memref<640x16xf32, #tpu.memory_space<hbm>>) target_semaphore(%run_scoped3A : memref<!tpu.dma_semaphore, #tpu.memory_space<semaphore_mem>>)
      %dma_wait3A = arith.constant 0 : i32
      %dma_wait3A_37 = tpu.memref_slice %arg3[%arg0, %mul3A_32, %dma_wait3A] : memref<2x10240x16xf32, #tpu.memory_space<hbm>> -> memref<1x640x16xf32, #tpu.memory_space<hbm>>
      %dma_wait3A_38 = tpu.memref_squeeze %dma_wait3A_37 : memref<1x640x16xf32, #tpu.memory_space<hbm>> -> memref<640x16xf32, #tpu.memory_space<hbm>>
      %dma_wait3A_39 = arith.constant 0 : i32
      %dma_wait3A_40 = tpu.memref_slice %arg4[%mul3A_30, %dma_wait3A_39] : memref<10240x16xf32, #tpu.memory_space<vmem_shared>> -> memref<640x16xf32, #tpu.memory_space<vmem_shared>>
      tpu.wait_dma2 semaphore(%run_scoped3A : memref<!tpu.dma_semaphore, #tpu.memory_space<semaphore_mem>>) src(%dma_wait3A_40 : memref<640x16xf32, #tpu.memory_space<vmem_shared>>) dst(%dma_wait3A_38 : memref<640x16xf32, #tpu.memory_space<hbm>>)
      tpu.yield
    }) : () -> ()
    return
  }
}

</mosaic_0001>

<sc_bundles>
// kernel: _sc_deg.3.cloned.1.call-start
scs
__scs_entry_jumppad:
0x0: {  	(pc) =	sbr.rel $0x88, $3  }
0x1: {  	(tag) =	ssettag $0x0;
	lr =	simm.s32 $0x1  }
0x2: {  	[smem:$0x3FA0] =	sst lr;
	_ =	strace $0xD0000000  }
0x3: {  	_ = 	snop  }
0x4: {  	_ = 	snop  }
0x5: {  	_ = 	snop  }
0x6: {  	_ = 	snop  }
0x7: {  	_ = 	snop  }
__scs_overlays_trampoline_lowered:
0x8: {  	[smem:$0x3FAF] =	sst s0  }
0x9: {  	[smem:$0x3FB0] =	sst s1  }
0xa: {  	[smem:$0x3FB1] =	sst s2  }
0xb: {  	[smem:$0x3FB2] =	sst s3  }
0xc: {  	[smem:$0x3FB3] =	sst s4  }
0xd: {  	[smem:$0x3FB4] =	sst s5  }
0xe: {  	[smem:$0x3FB5] =	sst s6  }
0xf: {  	[smem:$0x3FB6] =	sst s7  }
0x10: {  	[smem:$0x3FB7] =	sst s8  }
0x11: {  	[smem:$0x3FB8] =	sst s9;
	s0 =	simm.s32 @!p0 $0x0  }
0x12: {  	s1 =	sld [smem:$0x3F9E];
	s0 =	simm.s32 @p0 $0x1  }
0x13: {  	[smem:$0x3FB9] =	sst s0;
	s0 =	simm.s32 @!p1 $0x0  }
0x14: {  	s2 =	sld [smem:$0x3F9D];
	s0 =	simm.s32 @p1 $0x1  }
0x15: {  	[smem:$0x3FBA] =	sst s0;
	s0 =	simm.s32 @!p2 $0x0  }
0x16: {  	s3 =	sld [smem:$0x3FDB];
	s0 =	simm.s32 @p2 $0x1  }
0x17: {  	s4 =	simm.s32 $0x1BF5;
	[smem:$0x3FBC] =	sst s0  }
0x18: {  	s0 =	sld [smem:$0x3F9F];
	_ =	swait.ge [sflag:s4], $0x0  }
0x19: {  	s7 =	sld [smem:$0x3FA0]  }
0x1a: {  	s8 =	sadd.s32 $0xFFFFE003, lr  }
0x1b: {  	s9 =	sadd.s32 $0xFFFFFEF7, lr;
	s5 =	simm.s32 $0xFFFFFFFF;
	p2 =	slt.u32 s8, $0xFFFFF086  }
0x1c: {  	p1 =	slt.u32 s9, $0xF7A;
	s5 =	simm.s32 @!p2 $0x0  }
0x1d: {  	s5 =	simm.s32 @p1 $0x1;
	p0 =	seq.s32 s7, s2  }
0x1e: {  	s7 =	smul.u32 @!p0 $0xF7A, s2;
	p2 =	seq.s32 @!p0 s5, $0x0  }
0x1f: {  	s9 =	smul.u32 $0xF7A, s1;
	s8 =	simm.s32 @!p0 $0x1BF5;
	p2 =	por !p2, p0  }
0x20: {  	[sflag:s8] =	ssyncset.s32 @!p0 $0xFFFFF086;
	s6 =	sadd.s32 @!p0 s3, s7;
	s7 =	simm.s32 @!p0 $0x108  }
0x21: {  	s3 =	sadd.s32 s3, s9;
	s6 =	sadd.s32 @!p0 $0x88, s6;
	s7 =	simm.s32 @p2 $0x1082  }
0x22: {  	[simem:s7], [sflag:s8] =	dma.local @!p0 [hbm:s6], $0xF7A  }
0x23: {  	s9 =	sor.u32 $0xD0000000, s2;
	s6 =	simm.s32 $0x108;
	_ =	swait.ge @!p0 [sflag:s8], $0x0  }
0x24: {  	s3 =	sadd.s32 $0x88, s3;
	s6 =	simm.s32 @!p1 $0x1082;
	[sflag:s4] =	ssyncset.s32 $0xFFFFF086  }
0x25: {  	[simem:s6], [sflag:s4] =	dma.local [hbm:s3], $0xF7A  }
0x26: {  	[smem:$0x3FA0] =	sst s1;
	(tag) =	ssettag s2;
	_ =	strace s9  }
0x27: {  	s1 =	sld [smem:$0x3FB0]  }
0x28: {  	s2 =	sld [smem:$0x3FB1]  }
0x29: {  	s4 =	sld [smem:$0x3FB3]  }
0x2a: {  	p0 =	seq.s32 s5, $0x0;
	s5 =	sld [smem:$0x3FB4]  }
0x2b: {  	s6 =	sld [smem:$0x3FB5]  }
0x2c: {  	s7 =	sld [smem:$0x3FB6]  }
0x2d: {  	s3 =	simm.s32 $0x108;
	s8 =	sld [smem:$0x3FB7]  }
0x2e: {  	s3 =	simm.s32 @!p0 $0x1082;
	s9 =	sld [smem:$0x3FB8]  }
0x2f: {  	lr =	sadd.s32 s0, s3;
	s0 =	sld [smem:$0x3FAF]  }
0x30: {  	s3 =	sld [smem:$0x3FB2]  }
0x31: {  	[smem:$0x3FBB] =	sst s10  }
0x32: {  	s10 =	sld [smem:$0x3FB9];
	_ =	sdelay $0x3  }
0x33: {  	p0 =	seq.s32 s10, $0x1;
	s10 =	sld [smem:$0x3FBB];
	_ =	sdelay $0x3  }
0x34: {  	[smem:$0x3FBB] =	sst s10  }
0x35: {  	s10 =	sld [smem:$0x3FBA];
	_ =	sdelay $0x3  }
0x36: {  	p1 =	seq.s32 s10, $0x1;
	s10 =	sld [smem:$0x3FBB];
	_ =	sdelay $0x3  }
0x37: {  	[smem:$0x3FBB] =	sst s10  }
0x38: {  	s10 =	sld [smem:$0x3FBC]  }
0x39: {  	_ = 	snop;
	(pc) =	sbr.ind lr, $3  }
0x3a: {  	_ = 	snop  }
0x3b: {  	_ = 	snop  }
0x3c: {  	p2 =	seq.s32 s10, $0x1;
	s10 =	sld [smem:$0x3FBB]  }
0x3d: {  	_ =	shalt  }
0x3e: {  	_ =	shalt  }
0x3f: {  	_ =	shalt  }
0x40: {  	_ =	shalt  }
0x41: {  	_ =	shalt  }
0x42: {  	_ =	shalt  }
0x43: {  	_ =	shalt  }
0x44: {  	_ =	shalt  }
0x45: {  	_ =	shalt  }
0x46: {  	_ =	shalt  }
0x47: {  	_ =	shalt  }
0x48: {  	_ =	shalt  }
0x49: {  	_ =	shalt  }
0x4a: {  	_ =	shalt  }
0x4b: {  	_ =	shalt  }
0x4c: {  	_ =	shalt  }
0x4d: {  	_ =	shalt  }
0x4e: {  	_ =	shalt  }
0x4f: {  	_ =	shalt  }
0x50: {  	_ =	shalt  }
0x51: {  	_ =	shalt  }
0x52: {  	_ =	shalt  }
0x53: {  	_ =	shalt  }
0x54: {  	_ =	shalt  }
0x55: {  	_ =	shalt  }
0x56: {  	_ =	shalt  }
0x57: {  	_ =	shalt  }
0x58: {  	_ =	shalt  }
0x59: {  	_ =	shalt  }
0x5a: {  	_ =	shalt  }
0x5b: {  	_ =	shalt  }
0x5c: {  	_ =	shalt  }
0x5d: {  	_ =	shalt  }
0x5e: {  	_ =	shalt  }
0x5f: {  	_ =	shalt  }
0x60: {  	_ =	shalt  }
0x61: {  	_ =	shalt  }
0x62: {  	_ =	shalt  }
0x63: {  	_ =	shalt  }
0x64: {  	_ =	shalt  }
0x65: {  	_ =	shalt  }
0x66: {  	_ =	shalt  }
0x67: {  	_ =	shalt  }
0x68: {  	_ =	shalt  }
0x69: {  	_ =	shalt  }
0x6a: {  	_ =	shalt  }
0x6b: {  	_ =	shalt  }
0x6c: {  	_ =	shalt  }
0x6d: {  	_ =	shalt  }
0x6e: {  	_ =	shalt  }
0x6f: {  	_ =	shalt  }
0x70: {  	_ =	shalt  }
0x71: {  	_ =	shalt  }
0x72: {  	_ =	shalt  }
0x73: {  	_ =	shalt  }
0x74: {  	_ =	shalt  }
0x75: {  	_ =	shalt  }
0x76: {  	_ =	shalt  }
0x77: {  	_ =	shalt  }
0x78: {  	_ =	shalt  }
0x79: {  	_ =	shalt  }
0x7a: {  	_ =	shalt  }
0x7b: {  	_ =	shalt  }
0x7c: {  	_ =	shalt  }
0x7d: {  	_ =	shalt  }
0x7e: {  	_ =	shalt  }
0x7f: {  	_ =	shalt  }
0x80: {  	_ =	shalt  }
0x81: {  	_ =	shalt  }
0x82: {  	_ =	shalt  }
0x83: {  	_ =	shalt  }
0x84: {  	_ =	shalt  }
0x85: {  	_ =	shalt  }
0x86: {  	_ =	shalt  }
0x87: {  	_ =	shalt  }
.Lfunc_end0:
.L_simem_size_0:
called_computation_lowered:
.L_overlay_start_0:
0x88: {  	s2 =	sld [smem:$0x3FD9]  }
0x89: {  	s3 =	sld [smem:$0x3FFE];
	_ =	sdelay $0x1  }
0x8a: {  	s1 =	srdreg.scid  }
0x8b: {  	s0 =	sand.u32 $0x1, s1  }
0x8c: {  	s17 =	sshll.u32 s0, $0xA;
	s2 =	sadd.s32 s3, s2  }
0x8d: {  	s2 =	sadd.s32 s2, s17  }
0x8e: {  	[smem:$0x3FC7] =	sst s2  }
0x8f: {  	_ = 	snop  }
0x90: {  	s2 =	sld [smem:$0x3FC9];
	(tm) =	ssettm $0x1  }
0x91: {  	s18 =	sld [smem:$0x3FFB];
	_ =	sdelay $0x3  }
0x92: {  	_ =	strace s18  }
0x93: {  	s3 =	sld [smem:$0x3FFC];
	_ =	sdelay $0x3  }
0x94: {  	_ =	strace s3  }
0x95: {  	s3 =	sld [smem:$0x3FFD];
	_ =	sdelay $0x3  }
0x96: {  	_ =	strace s3  }
0x97: {  	_ =	strace $0x8FFFFFFF  }
0x98: {  	s19 =	sld [smem:$0x3FDB];
	_ =	sdelay $0x1  }
0x99: {  	s4 =	simm.s32 $_scs_section_size  }
0x9a: {  	s5 =	simm.s32 $_size__tile_overlayer_lowered;
	s6 =	simm.s32 $_tile_overlayer_lowered  }
0x9b: {  	s22 =	simm.s32 $0x1BFF;
	s21 =	sshll.u32 s6, $0x1;
	s3 =	sadd.s32 s4, s19  }
0x9c: {  	s7 =	simm.s32 $0x0;
	s20 =	sshll.u32 s5, $0x1;
	s5 =	sadd.s32 s21, s3  }
0x9d: {  	[timem:s7], [sflag:s22] =	dma.local [hbm:s5], s20  }
0x9e: {  	_ =	swait.ge [sflag:s22], s20  }
0x9f: {  	s4 =	ssub.s32 $0x0, s20;
	[sflag:s22] =	ssyncset.done $0x0  }
0xa0: {  	[sflag:s22] =	ssyncadd.s32 s4;
	_ =	sdelay $0x1  }
0xa1: {  	s23 =	simm.s32 $0x1B8B  }
0xa2: {  	_ =	swait.ge [sflag:s23], $0x1  }
0xa3: {  	[sflag:s23] =	ssyncset.done $0x0  }
0xa4: {  	s25 =	simm.s32 $0x1B8E;
	s24 =	sld [smem:$0x3FFE];
	[sflag:s23] =	ssyncadd.s32 $0xFFFFFFFF  }
0xa5: {  	s26 =	simm.s32 $execute0_lowered;
	[smem:$0x3FD2] =	sst s25  }
0xa6: {  	s5 =	sshll.u32 s26, $0x1;
	_ =	strace $0x80000046;
	[dreg:$0x1] =	wrdreg $0xFFFFFFFF  }
0xa7: {  	s28 =	simm.s32 $_size_execute0_lowered;
	s3 =	sadd.s32 s3, s5;
	[dreg:$0x0] =	wrdreg $0x0  }
0xa8: {  	s5 =	sshll.u32 s28, $0x1;
	[dreg:$0x2] =	wrdreg s3  }
0xa9: {  	[dreg:$0x3] =	wrdreg s5  }
0xaa: {  	[dreg:$0x4] =	wrdreg $0xC0  }
0xab: {  	_ =	task [dreg:s7], $0x5FFFF  }
0xac: {  	[dreg:$0x1] =	wrdreg $0xFFFFFFFF  }
0xad: {  	[dreg:$0x0] =	wrdreg $0x60  }
0xae: {  	[dreg:$0x2] =	wrdreg s2  }
0xaf: {  	[dreg:$0x3] =	wrdreg s24  }
0xb0: {  	[dreg:$0x4] =	wrdreg $0x0  }
0xb1: {  	[dreg:$0x5] =	wrdreg $0x9  }
0xb2: {  	_ =	task.clear_ibuf [dreg:s7], $0x6FFFF;
	_ =	strace $0x90000046  }
0xb3: {  	s29 =	simm.s32 $0x9;
	_ =	strace $0x80000048  }
0xb4: {  	_ =	swait.ge [sflag:s29], $0x1  }
0xb5: {  	[sflag:s29] =	ssyncadd.s32 $0xFFFFFFFF  }
0xb6: {  	_ =	strace $0x90000048  }
0xb7: {  	_ =	sfence  }
0xb8: {  	s30 =	sld [smem:$0x0];
	_ =	sdelay $0x2  }
0xb9: {  	s31 =	sshll.u32 s1, $0xD;
	s1 =	sshrl.u32 s1, $0x2  }
0xba: {  	s3 =	sand.u32 $0x4000, s31;
	s1 =	sadd.s32 s1, s30  }
0xbb: {  	s0 =	sor.u32 s3, s0;
	s1 =	sshll.u32 s1, $0x11  }
0xbc: {  	s0 =	sor.u32 s1, s0  }
0xbd: {  	s0 =	sadd.s32 $0x8F2B, s0  }
0xbe: {  	[sflag:s0] =	ssyncadd.remote.s32 $0x1  }
0xbf: {  	_ =	sfence.sel $0xFFFF  }
0xc0: {  	[dreg:$0x0] =	wrdreg $0xFFFFFFFF;
	(pc) =	sbr.abs _section_cstart, $3  }
0xc1: {  	[dreg:$0x1] =	wrdreg $0xFFFFFFFF  }
0xc2: {  	_ =	task.clear_ibuf [dreg:s7], $0x2FFFF;
	_ =	strace $0x9FFFFFFF  }
0xc3: {  	(tm) =	ssettm $0x7FFFFFFF  }
tec
execute0_lowered:
.L_overlay_start_1:
0x0: {  	(tag) =	ssettag $0x1  }
0x1: {  	s11 =	rddreg [dreg:$0x0]  }
0x2: {  	s4 =	rddreg [dreg:$0x1];
	s0 =	srdreg.scid  }
0x3: {  	s2 =	rddreg [dreg:$0x2];
	s1 =	stileid.u32  }
0x4: {  	s3 =	simm.s32 $0x0;
	s13 =	simm.s32 $0x1;
	s14 =	simm.s32 $0x2800  }
0x5: {  	s15 =	simm.s32 $0x100;
	s16 =	simm.s32 $0x2900;
	s7 =	smul.u32 $0x14000, s1  }
0x6: {  	s5 =	sand.u32 $0x1, s0;
	s0 =	rddreg [dreg:$0x3];
	s30 =	smul.u32 $0x50000, s1  }
0x7: {  	s19 =	simm.s32 $0x0;
	[smem:$0x7FF] =	sst s3;
	s10 =	smul.u32 $0x2800, s1  }
0x8: {  	s17 =	sshll.u32 s1, $0x6;
	s6 =	smul.u32 $0x140000, s5;
	_ =	strace $0x80000047  }
0x9: {  	s8 =	ssub.s32 $0x2, s5;
	s9 =	smul.u32 $0x28000, s5;
	s17 =	sor.u32 $0x1C01, s17  }
0xa: {  	s31 =	sshrl.u32 s8, $0x1;
	s6 =	sadd.s32 s7, s6;
	s7 =	sshrl.u32 s30, $0x2  }
0xb: {  	s8 =	ssub.s32 s8, s31;
	s9 =	sadd.s32 s10, s9;
	s6 =	sshrl.u32 s6, $0x3  }
0xc: {  	s12 =	sshrl.u32 s9, $0x3;
	s6 =	sadd.s32 s6, s4;
	s4 =	sadd.s32 s7, s2  }
0xd: {  	s11 =	sadd.s32 s12, s11;
	s12 =	simm.s32 $0xA900;
	s5 =	sadd.s32 $0x400, s6  }
0xe: {  	v0 =	vimm.f32 $0.0e+00;
	vm0 =	vcmask $0x300;
	s6 =	smax.u32 s8, $0x1;
	s7 =	sadd.s32 $0x4000, s4;
	s8 =	sadd.s32 $0x8000, s4  }
0xf: {  	v1 =	vsel vm0, $0x3F800000, v0;
	s9 =	sadd.s32 $0xC000, s4;
	s10 =	sadd.s32 $0x10000, s4;
	s18 =	sshrl.u32 s4, $0x3  }
.LBB2_1:
0x10: {  	s20 =	simm.s32 $0x0  }
.LBB2_2:
0x11: {  	p0 =	sne.s32 s20, $0x1FE00  }
.Ltmp0:
0x12: {  	_ = 	snop;
	(pc) =	sbr.rel @p0 .LBB2_2-.Ltmp0, $3  }
0x13: {  	_ =	sdelay $0x1  }
0x14: {  	s21 =	sshra.s32 s20, $0x2  }
0x15: {  	s20 =	sadd.s32 $0x200, s20;
	[tilespmem:s21+$0x2900] =	vst v1  }
0x16: {  	s20 =	simm.s32 $0x200;
	s21 =	simm.s32 $0x0  }
.LBB2_4:
0x17: {  	p0 =	sne.s32 s20, $0xFE00;
	[tilespmem:s21+$0xA900] =	vst v0;
	s21 =	smov.u32 s20;
	s20 =	sadd.s32 $0x200, s20  }
.Ltmp1:
0x18: {  	(pc) =	sbr.rel @p0 .LBB2_4-.Ltmp1, $2  }
0x19: {  	_ =	sdelay $0x2  }
0x1a: {  	s21 =	sshra.s32 s21, $0x2  }
0x1b: {  	[tilespmem:s21+$0xA900] =	vst v0  }
0x1c: {  	[spmem:s4] =	stream.linear.scatter [tilespmem:s12], [sflag:$0x1], $0x4000, $0x38;
	[tilespmem:$0xE900] =	vst v63  }
0x1d: {  	_ =	swait.ge [sflag:s13], $0x4000  }
0x1e: {  	[sflag:s13] =	ssyncset.done $0x0  }
0x1f: {  	[sflag:s13] =	ssyncadd.s32 $0xFFFFC000  }
0x20: {  	[spmem:s7] =	stream.linear.scatter [tilespmem:s12], [sflag:$0x1], $0x4000, $0x38;
	[tilespmem:$0xE900] =	vst v63  }
0x21: {  	_ =	swait.ge [sflag:s13], $0x4000  }
0x22: {  	[sflag:s13] =	ssyncset.done $0x0  }
0x23: {  	[sflag:s13] =	ssyncadd.s32 $0xFFFFC000  }
0x24: {  	[spmem:s8] =	stream.linear.scatter [tilespmem:s12], [sflag:$0x1], $0x4000, $0x38;
	[tilespmem:$0xE900] =	vst v63  }
0x25: {  	_ =	swait.ge [sflag:s13], $0x4000  }
0x26: {  	[sflag:s13] =	ssyncset.done $0x0  }
0x27: {  	[sflag:s13] =	ssyncadd.s32 $0xFFFFC000  }
0x28: {  	[spmem:s9] =	stream.linear.scatter [tilespmem:s12], [sflag:$0x1], $0x4000, $0x38;
	[tilespmem:$0xE900] =	vst v63  }
0x29: {  	_ =	swait.ge [sflag:s13], $0x4000  }
0x2a: {  	[sflag:s13] =	ssyncset.done $0x0  }
0x2b: {  	[sflag:s13] =	ssyncadd.s32 $0xFFFFC000  }
0x2c: {  	[spmem:s10] =	stream.linear.scatter [tilespmem:s12], [sflag:$0x1], $0x4000, $0x38;
	[tilespmem:$0xE900] =	vst v63  }
0x2d: {  	_ =	swait.ge [sflag:s13], $0x4000  }
0x2e: {  	[sflag:s13] =	ssyncset.done $0x0  }
0x2f: {  	[sflag:s13] =	ssyncadd.s32 $0xFFFFC000  }
0x30: {  	s20 =	sadd.s32 $0x0, s11;
	[bflag:$0x0] =	sbarrier.arrive $0xFFFF  }
0x31: {  	[tilespmem:s14], [sflag:$0x1] =	stream.linear.gather [hbm4b:s20+s3], $0x100, $0x38;
	[tilespmem:$0xE900] =	vst v63  }
0x32: {  	_ =	swait.ge [sflag:s13], $0x100  }
0x33: {  	[sflag:s13] =	ssyncset.done $0x0  }
0x34: {  	[sflag:s13] =	ssyncadd.s32 $0xFFFFFF00  }
0x35: {  	[spmem:s2] =	stream.indirect.scatter.add.f32 [tilespmem:s16], [sflag:$0x1], $0x10, s14, s15, $0xb8;
	[tilespmem:$0xE900] =	vst v63  }
0x36: {  	_ =	swait.ge [sflag:s13], $0x1000  }
0x37: {  	s21 =	simm.s32 $0x40;
	s20 =	simm.s32 $0x20;
	[sflag:s13] =	ssyncset.done $0x0  }
.LBB2_6:
0x38: {  	s22 =	sadd.s32 s20, s11  }
0x39: {  	[sflag:s13] =	ssyncadd.s32 $0xFFFFF000;
	s20 =	smov.u32 s21;
	s23 =	sadd.s32 $0x20, s21  }
0x3a: {  	[tilespmem:s14], [sflag:$0x1] =	stream.linear.gather [hbm4b:s22+s3], $0x100, $0x38;
	[tilespmem:$0xE900] =	vst v63  }
0x3b: {  	p0 =	sne.s32 s21, $0x4E0;
	_ =	swait.ge [sflag:s13], $0x100  }
.Ltmp2:
0x3c: {  	[sflag:s13] =	ssyncset.done $0x0;
	(pc) =	sbr.rel @p0 .LBB2_6-.Ltmp2, $4  }
0x3d: {  	[sflag:s13] =	ssyncadd.s32 $0xFFFFFF00  }
0x3e: {  	[spmem:s2] =	stream.indirect.scatter.add.f32 [tilespmem:s16], [sflag:$0x1], $0x10, s14, s15, $0xb8;
	[tilespmem:$0xE900] =	vst v63  }
0x3f: {  	_ =	swait.ge [sflag:s13], $0x1000  }
0x40: {  	s21 =	smov.u32 s23;
	[sflag:s13] =	ssyncset.done $0x0  }
0x41: {  	s20 =	sadd.s32 s20, s11;
	[sflag:s13] =	ssyncadd.s32 $0xFFFFF000  }
0x42: {  	[tilespmem:s14], [sflag:$0x1] =	stream.linear.gather [hbm4b:s20+s3], $0x100, $0x38;
	[tilespmem:$0xE900] =	vst v63  }
0x43: {  	_ =	swait.ge [sflag:s13], $0x100  }
0x44: {  	[sflag:s13] =	ssyncset.done $0x0  }
0x45: {  	[sflag:s13] =	ssyncadd.s32 $0xFFFFFF00  }
0x46: {  	[spmem:s2] =	stream.indirect.scatter.add.f32 [tilespmem:s16], [sflag:$0x1], $0x10, s14, s15, $0xb8;
	[tilespmem:$0xE900] =	vst v63  }
0x47: {  	_ =	swait.ge [sflag:s13], $0x1000  }
0x48: {  	s19 =	sadd.s32 $0x1, s19;
	[sflag:s13] =	ssyncset.done $0x0  }
0x49: {  	p0 =	sne.s32 s19, s6;
	[sflag:s13] =	ssyncadd.s32 $0xFFFFF000  }
.Ltmp3:
0x4a: {  	[bflag:$0x0] =	sbarrier.arrive $0xFFFF;
	(pc) =	sbr.rel @p0 .LBB2_1-.Ltmp3, $4  }
0x4b: {  	[hbm:s5], [sflag:s17] =	dma.local [spmem:s18], $0x2800  }
0x4c: {  	_ =	swait.ge [sflag:s13], $0x2800  }
0x4d: {  	[sflag:s13] =	ssyncset.done $0x0  }
0x4e: {  	[sflag:s13] =	ssyncadd.s32 $0xFFFFD800  }
0x4f: {  	_ =	sfence.sel $0x180000  }
0x50: {  	[bflag:$0x0] =	sbarrier.arrive $0xFFFF  }
0x51: {  	p0 =	sne.s32 s1, $0x0;
	_ =	strace $0x90000047  }
0x52: {  	s0 =	sadd.s32 @!p0 $0x100000, s0;
	[bflag:$0x2] =	sbarrier.arrive $0xFFFF  }
0x53: {  	[sflag:s0] =	ssyncadd.tile.s32 @!p0 $0x1;
	_ =	shalt  }
.Lfunc_end2:
_tile_overlayer_lowered:
.L_overlay_start_2:
0x54: {  	(tag) =	ssettag $0x2  }
0x55: {  	s0 =	rddreg [dreg:$0x0];
	s2 =	stileid.u32  }
0x56: {  	s1 =	rddreg [dreg:$0x1];
	p0 =	sne.s32 s2, $0x0  }
0x57: {  	s3 =	rddreg [dreg:$0x2];
	[bflag:$0x3] =	sbarrier.arrive $0xFFFF;
	s2 =	simm.s32 @!p0 $0x1C01  }
0x58: {  	[timem:s3], [sflag:s2] =	dma.local @!p0 [hbm:s0], s1  }
0x59: {  	s0 =	simm.s32 @!p0 $0x1  }
0x5a: {  	_ =	swait.ge @!p0 [sflag:s0], s1  }
0x5b: {  	s1 =	ssub.s32 @!p0 $0x0, s1;
	[sflag:s0] =	ssyncset.done @!p0 $0x0  }
0x5c: {  	[sflag:s0] =	ssyncadd.s32 @!p0 s1  }
0x5d: {  	[bflag:$0x3] =	sbarrier.arrive $0xFFFF  }
0x5e: {  	_ =	shalt  }

</sc_bundles>
